<compile_context>
chip_gen: v7x
topology: tpu7x:2x2x1
jax: 0.10.2.dev20260603
libtpu: 0.0.44.dev20260713+nightly
codegen_flags: <defaults>
</compile_context>

<pallas_src>
import jax
import jax.numpy as jnp
from jax.experimental import pallas as pl
from jax.experimental.pallas import tpu as pltpu


def _body(g_ref, w1_ref, b1_ref, w2_ref, b2_ref, w3e_ref, b3e_ref,
          w3o_ref, b3o_ref, ie_ref, io_ref, x_ref, o_ref):
    b = pl.program_id(0)
    HW = x_ref.shape[2]
    X = x_ref[0]
    g = g_ref[b]
    g = g * (g > 0).astype(g.dtype)
    f32 = jnp.float32
    h = jnp.dot(w1_ref[...], X, preferred_element_type=f32) + b1_ref[...]
    h = jnp.maximum(h * g, 0.0)
    h = jnp.dot(w2_ref[...], h, preferred_element_type=f32) + b2_ref[...]
    h = jnp.maximum(h * g, 0.0)
    xe = jnp.dot(ie_ref[...], X, preferred_element_type=f32)
    xo = jnp.dot(io_ref[...], X, preferred_element_type=f32)
    ye = jnp.maximum(jnp.dot(w3e_ref[...], h, preferred_element_type=f32)
                     + b3e_ref[...], 0.0) + xe
    yo = jnp.maximum(jnp.dot(w3o_ref[...], h, preferred_element_type=f32)
                     + b3o_ref[...], 0.0) + xo
    o_ref[0, :, 0:HW] = ye
    o_ref[0, :, HW:2 * HW] = yo


def kernel(x, gate_values, W1, b1, W2, b2, W3, b3):
    B, C, H, Wd = x.shape
    MID = W1.shape[0]
    HW = H * Wd
    CH = C // 2
    xr = x.reshape(B, C, HW)
    eye = jnp.eye(C, dtype=jnp.float32)
    ie = eye[0::2]
    io = eye[1::2]
    vmem = pltpu.MemorySpace.VMEM
    out = pl.pallas_call(
        _body,
        grid=(B,),
        in_specs=[pl.BlockSpec(memory_space=vmem)] * 11
        + [pl.BlockSpec((1, C, HW), lambda b: (b, 0, 0))],
        out_specs=pl.BlockSpec((1, CH, 2 * HW), lambda b: (b, 0, 0)),
        out_shape=jax.ShapeDtypeStruct((B, CH, 2 * HW), jnp.float32),
        compiler_params=pltpu.CompilerParams(
            dimension_semantics=("arbitrary",),
        ),
    )(
        gate_values.reshape(B, MID, 1),
        W1,
        b1.reshape(MID, 1),
        W2,
        b2.reshape(MID, 1),
        W3[0::2],
        b3[0::2].reshape(CH, 1),
        W3[1::2],
        b3[1::2].reshape(CH, 1),
        ie,
        io,
        xr,
    )
    return out.reshape(B, C, H, Wd)

# --- scband reference (transcript-rebuilt; emitter-appended) ---
"""Pipeline reference for scband-bottleneck-a-73143293051463 (READ-ONLY COPY).

The authoritative reference and input builder live on the scoring server;
editing this copy changes nothing except your own understanding.
"""

import jax, jax.numpy as jnp
import numpy as np

B, C, H, W = 8, 384, 56, 56
K = 4
MID = C // K  # 96


def setup_inputs(seed: int = 0) -> dict:
    key = jax.random.key(seed)
    ks = jax.random.split(key, 8)
    x = jax.random.normal(ks[0], (B, C, H, W), dtype=jnp.float32)
    # gates in [0,1): nonnegative, matches torch harness with rand fill
    gate_values = jax.random.uniform(ks[1], (B, MID), dtype=jnp.float32)
    # MoELayer1: MID experts, each a 1x1 conv (in=C, out=1) -> stacked weight [MID, C]
    s1 = 1.0 / np.sqrt(C * 1 * 1)
    W1 = jax.random.uniform(ks[2], (MID, C), jnp.float32, -s1, s1)
    b1 = jax.random.uniform(ks[3], (MID,), jnp.float32, -s1, s1)
    # MoELayer2: MID experts, each 1x1 conv (in=MID, out=1) -> [MID, MID]
    s2 = 1.0 / np.sqrt(MID * 1 * 1)
    W2 = jax.random.uniform(ks[4], (MID, MID), jnp.float32, -s2, s2)
    b2 = jax.random.uniform(ks[5], (MID,), jnp.float32, -s2, s2)
    # conv3: standard 1x1 conv (in=MID, out=C) -> [C, MID]
    W3 = jax.random.uniform(ks[6], (C, MID), jnp.float32, -s2, s2)
    b3 = jax.random.uniform(ks[7], (C,), jnp.float32, -s2, s2)
    return {"x": x, "gate_values": gate_values, "W1": W1, "b1": b1,
            "W2": W2, "b2": b2, "W3": W3, "b3": b3}


def moe_layer(x, gate, Wc, bc):
    # Each expert i: 1x1 conv producing one channel, scaled by gate[:, i];
    # samples with gate[:, i] <= 0 are skipped (output stays zero).
    # Equivalent dense form: y[b,i,h,w] = (sum_c Wc[i,c]*x[b,c,h,w] + bc[i]) * gate[b,i] * (gate[b,i] > 0)
    y = jnp.einsum('bchw,oc->bohw', x, Wc) + bc[None, :, None, None]
    g = gate * (gate > 0).astype(gate.dtype)
    return y * g[:, :, None, None]


def reference(x, gate_values, W1, b1, W2, b2, W3, b3):
    x_in = x
    h = jax.nn.relu(moe_layer(x, gate_values, W1, b1))
    h = jax.nn.relu(moe_layer(h, gate_values, W2, b2))
    h = jnp.einsum('bchw,oc->bohw', h, W3) + b3[None, :, None, None]
    h = jax.nn.relu(h)
    return h + x_in

if __name__ == "__main__":
    import jax
    _d = setup_inputs()
    print(jax.jit(kernel)(*tuple(_d.values())))

</pallas_src>

<mosaic_0001>
module attributes {stable_mosaic.version = 14 : i64} {
  func.func @_body(%arg0: i32, %arg1: memref<8x96x1xf32, #tpu.memory_space<vmem>>, %arg2: memref<96x384xf32, #tpu.memory_space<vmem>>, %arg3: memref<96x1xf32, #tpu.memory_space<vmem>>, %arg4: memref<96x96xf32, #tpu.memory_space<vmem>>, %arg5: memref<96x1xf32, #tpu.memory_space<vmem>>, %arg6: memref<192x96xf32, #tpu.memory_space<vmem>>, %arg7: memref<192x1xf32, #tpu.memory_space<vmem>>, %arg8: memref<192x96xf32, #tpu.memory_space<vmem>>, %arg9: memref<192x1xf32, #tpu.memory_space<vmem>>, %arg10: memref<192x384xf32, #tpu.memory_space<vmem>>, %arg11: memref<192x384xf32, #tpu.memory_space<vmem>>, %arg12: memref<1x384x3136xf32, #tpu.memory_space<vmem>>, %arg13: memref<1x192x6272xf32, #tpu.memory_space<vmem>>) attributes {dimension_semantics = [#tpu.dimension_semantics<arbitrary>], iteration_bounds = array<i64: 8>, scalar_prefetch = 0 : i64, scratch_operands = 0 : i64, tpu.core_type = #tpu.core_type<tc>, window_params = [{pipeline_mode = #tpu.pipeline_mode<synchronous>, transform_indices = @transform_0, window_bounds = array<i64: 8, 96, 1>}, {pipeline_mode = #tpu.pipeline_mode<synchronous>, transform_indices = @transform_1, window_bounds = array<i64: 96, 384>}, {pipeline_mode = #tpu.pipeline_mode<synchronous>, transform_indices = @transform_2, window_bounds = array<i64: 96, 1>}, {pipeline_mode = #tpu.pipeline_mode<synchronous>, transform_indices = @transform_3, window_bounds = array<i64: 96, 96>}, {pipeline_mode = #tpu.pipeline_mode<synchronous>, transform_indices = @transform_4, window_bounds = array<i64: 96, 1>}, {pipeline_mode = #tpu.pipeline_mode<synchronous>, transform_indices = @transform_5, window_bounds = array<i64: 192, 96>}, {pipeline_mode = #tpu.pipeline_mode<synchronous>, transform_indices = @transform_6, window_bounds = array<i64: 192, 1>}, {pipeline_mode = #tpu.pipeline_mode<synchronous>, transform_indices = @transform_7, window_bounds = array<i64: 192, 96>}, {pipeline_mode = #tpu.pipeline_mode<synchronous>, transform_indices = @transform_8, window_bounds = array<i64: 192, 1>}, {pipeline_mode = #tpu.pipeline_mode<synchronous>, transform_indices = @transform_9, window_bounds = array<i64: 192, 384>}, {pipeline_mode = #tpu.pipeline_mode<synchronous>, transform_indices = @transform_10, window_bounds = array<i64: 192, 384>}, {transform_indices = @transform_11, window_bounds = array<i64: 1, 384, 3136>}, {transform_indices = @transform_12, window_bounds = array<i64: 1, 192, 6272>}]} {
    %get3A = arith.constant 0 : index
    %get3A_0 = arith.constant 0 : index
    %get3A_1 = arith.constant 0 : index
    %get3A_2 = vector.load %arg12[%get3A, %get3A_0, %get3A_1] : memref<1x384x3136xf32, #tpu.memory_space<vmem>>, vector<1x384x3136xf32>
    %get3A_3 = vector.shape_cast %get3A_2 : vector<1x384x3136xf32> to vector<384x3136xf32>
    %get3A_4 = arith.index_cast %arg0 : i32 to index
    %get3A_5 = arith.constant 0 : index
    %get3A_6 = arith.constant 0 : index
    %get3A_7 = vector.load %arg1[%get3A_4, %get3A_5, %get3A_6] : memref<8x96x1xf32, #tpu.memory_space<vmem>>, vector<1x96x1xf32>
    %get3A_8 = vector.shape_cast %get3A_7 : vector<1x96x1xf32> to vector<96x1xf32>
    %gt3A = arith.constant 0.000000e+00 : f32
    %gt3A_9 = vector.broadcast %gt3A : f32 to vector<96x1xf32>
    %gt3A_10 = arith.cmpf ogt, %get3A_8, %gt3A_9 : vector<96x1xf32>
    %convert_element_type3A = arith.extui %gt3A_10 : vector<96x1xi1> to vector<96x1xi32>
    %convert_element_type3A_11 = arith.sitofp %convert_element_type3A : vector<96x1xi32> to vector<96x1xf32>
    %mul3A = arith.mulf %get3A_8, %convert_element_type3A_11 : vector<96x1xf32>
    %get3A_12 = arith.constant 0 : index
    %get3A_13 = arith.constant 0 : index
    %get3A_14 = vector.load %arg2[%get3A_12, %get3A_13] : memref<96x384xf32, #tpu.memory_space<vmem>>, vector<96x384xf32>
    %dot_general3A = arith.constant dense<0.000000e+00> : vector<96x3136xf32>
    %dot_general3A_15 = tpu.matmul %get3A_14, %get3A_3, %dot_general3A {dimension_numbers = #tpu.dot_dimension_numbers<[1], [0], [0], [1], [0, 0, 1, 1], [], []>, transpose_lhs_hint = false} : vector<96x384xf32>, vector<384x3136xf32>, vector<96x3136xf32> -> vector<96x3136xf32>
    %get3A_16 = arith.constant 0 : index
    %get3A_17 = arith.constant 0 : index
    %get3A_18 = vector.load %arg3[%get3A_16, %get3A_17] : memref<96x1xf32, #tpu.memory_space<vmem>>, vector<96x1xf32>
    %add3A = vector.broadcast %get3A_18 : vector<96x1xf32> to vector<96x3136xf32>
    %add3A_19 = arith.addf %dot_general3A_15, %add3A : vector<96x3136xf32>
    %mul3A_20 = vector.broadcast %mul3A : vector<96x1xf32> to vector<96x3136xf32>
    %mul3A_21 = arith.mulf %add3A_19, %mul3A_20 : vector<96x3136xf32>
    %max3A = arith.constant 0.000000e+00 : f32
    %max3A_22 = vector.broadcast %max3A : f32 to vector<96x3136xf32>
    %max3A_23 = arith.maximumf %mul3A_21, %max3A_22 : vector<96x3136xf32>
    %get3A_24 = arith.constant 0 : index
    %get3A_25 = arith.constant 0 : index
    %get3A_26 = vector.load %arg4[%get3A_24, %get3A_25] : memref<96x96xf32, #tpu.memory_space<vmem>>, vector<96x96xf32>
    %dot_general3A_27 = arith.constant dense<0.000000e+00> : vector<96x3136xf32>
    %dot_general3A_28 = tpu.matmul %get3A_26, %max3A_23, %dot_general3A_27 {dimension_numbers = #tpu.dot_dimension_numbers<[1], [0], [0], [1], [0, 0, 1, 1], [], []>, transpose_lhs_hint = false} : vector<96x96xf32>, vector<96x3136xf32>, vector<96x3136xf32> -> vector<96x3136xf32>
    %get3A_29 = arith.constant 0 : index
    %get3A_30 = arith.constant 0 : index
    %get3A_31 = vector.load %arg5[%get3A_29, %get3A_30] : memref<96x1xf32, #tpu.memory_space<vmem>>, vector<96x1xf32>
    %add3A_32 = vector.broadcast %get3A_31 : vector<96x1xf32> to vector<96x3136xf32>
    %add3A_33 = arith.addf %dot_general3A_28, %add3A_32 : vector<96x3136xf32>
    %mul3A_34 = vector.broadcast %mul3A : vector<96x1xf32> to vector<96x3136xf32>
    %mul3A_35 = arith.mulf %add3A_33, %mul3A_34 : vector<96x3136xf32>
    %max3A_36 = arith.constant 0.000000e+00 : f32
    %max3A_37 = vector.broadcast %max3A_36 : f32 to vector<96x3136xf32>
    %max3A_38 = arith.maximumf %mul3A_35, %max3A_37 : vector<96x3136xf32>
    %get3A_39 = arith.constant 0 : index
    %get3A_40 = arith.constant 0 : index
    %get3A_41 = vector.load %arg10[%get3A_39, %get3A_40] : memref<192x384xf32, #tpu.memory_space<vmem>>, vector<192x384xf32>
    %dot_general3A_42 = arith.constant dense<0.000000e+00> : vector<192x3136xf32>
    %dot_general3A_43 = tpu.matmul %get3A_41, %get3A_3, %dot_general3A_42 {dimension_numbers = #tpu.dot_dimension_numbers<[1], [0], [0], [1], [0, 0, 1, 1], [], []>, transpose_lhs_hint = false} : vector<192x384xf32>, vector<384x3136xf32>, vector<192x3136xf32> -> vector<192x3136xf32>
    %get3A_44 = arith.constant 0 : index
    %get3A_45 = arith.constant 0 : index
    %get3A_46 = vector.load %arg11[%get3A_44, %get3A_45] : memref<192x384xf32, #tpu.memory_space<vmem>>, vector<192x384xf32>
    %dot_general3A_47 = arith.constant dense<0.000000e+00> : vector<192x3136xf32>
    %dot_general3A_48 = tpu.matmul %get3A_46, %get3A_3, %dot_general3A_47 {dimension_numbers = #tpu.dot_dimension_numbers<[1], [0], [0], [1], [0, 0, 1, 1], [], []>, transpose_lhs_hint = false} : vector<192x384xf32>, vector<384x3136xf32>, vector<192x3136xf32> -> vector<192x3136xf32>
    %get3A_49 = arith.constant 0 : index
    %get3A_50 = arith.constant 0 : index
    %get3A_51 = vector.load %arg6[%get3A_49, %get3A_50] : memref<192x96xf32, #tpu.memory_space<vmem>>, vector<192x96xf32>
    %dot_general3A_52 = arith.constant dense<0.000000e+00> : vector<192x3136xf32>
    %dot_general3A_53 = tpu.matmul %get3A_51, %max3A_38, %dot_general3A_52 {dimension_numbers = #tpu.dot_dimension_numbers<[1], [0], [0], [1], [0, 0, 1, 1], [], []>, transpose_lhs_hint = false} : vector<192x96xf32>, vector<96x3136xf32>, vector<192x3136xf32> -> vector<192x3136xf32>
    %get3A_54 = arith.constant 0 : index
    %get3A_55 = arith.constant 0 : index
    %get3A_56 = vector.load %arg7[%get3A_54, %get3A_55] : memref<192x1xf32, #tpu.memory_space<vmem>>, vector<192x1xf32>
    %add3A_57 = vector.broadcast %get3A_56 : vector<192x1xf32> to vector<192x3136xf32>
    %add3A_58 = arith.addf %dot_general3A_53, %add3A_57 : vector<192x3136xf32>
    %max3A_59 = arith.constant 0.000000e+00 : f32
    %max3A_60 = vector.broadcast %max3A_59 : f32 to vector<192x3136xf32>
    %max3A_61 = arith.maximumf %add3A_58, %max3A_60 : vector<192x3136xf32>
    %add3A_62 = arith.addf %max3A_61, %dot_general3A_43 : vector<192x3136xf32>
    %get3A_63 = arith.constant 0 : index
    %get3A_64 = arith.constant 0 : index
    %get3A_65 = vector.load %arg8[%get3A_63, %get3A_64] : memref<192x96xf32, #tpu.memory_space<vmem>>, vector<192x96xf32>
    %dot_general3A_66 = arith.constant dense<0.000000e+00> : vector<192x3136xf32>
    %dot_general3A_67 = tpu.matmul %get3A_65, %max3A_38, %dot_general3A_66 {dimension_numbers = #tpu.dot_dimension_numbers<[1], [0], [0], [1], [0, 0, 1, 1], [], []>, transpose_lhs_hint = false} : vector<192x96xf32>, vector<96x3136xf32>, vector<192x3136xf32> -> vector<192x3136xf32>
    %get3A_68 = arith.constant 0 : index
    %get3A_69 = arith.constant 0 : index
    %get3A_70 = vector.load %arg9[%get3A_68, %get3A_69] : memref<192x1xf32, #tpu.memory_space<vmem>>, vector<192x1xf32>
    %add3A_71 = vector.broadcast %get3A_70 : vector<192x1xf32> to vector<192x3136xf32>
    %add3A_72 = arith.addf %dot_general3A_67, %add3A_71 : vector<192x3136xf32>
    %max3A_73 = arith.constant 0.000000e+00 : f32
    %max3A_74 = vector.broadcast %max3A_73 : f32 to vector<192x3136xf32>
    %max3A_75 = arith.maximumf %add3A_72, %max3A_74 : vector<192x3136xf32>
    %add3A_76 = arith.addf %max3A_75, %dot_general3A_48 : vector<192x3136xf32>
    %swap3A = arith.constant 0 : index
    %swap3A_77 = arith.constant 0 : index
    %swap3A_78 = arith.constant 0 : index
    %swap3A_79 = vector.load %arg13[%swap3A, %swap3A_77, %swap3A_78] : memref<1x192x6272xf32, #tpu.memory_space<vmem>>, vector<1x192x3136xf32>
    %swap3A_80 = vector.shape_cast %swap3A_79 : vector<1x192x3136xf32> to vector<192x3136xf32>
    %swap3A_81 = vector.shape_cast %add3A_62 : vector<192x3136xf32> to vector<1x192x3136xf32>
    tpu.vector_store %arg13[%swap3A, %swap3A_77, %swap3A_78], %swap3A_81 {strides = array<i32>} : memref<1x192x6272xf32, #tpu.memory_space<vmem>>, vector<1x192x3136xf32>,
    %swap3A_82 = arith.constant 0 : index
    %swap3A_83 = arith.constant 0 : index
    %swap3A_84 = arith.constant 3136 : index
    %swap3A_85 = vector.load %arg13[%swap3A_82, %swap3A_83, %swap3A_84] : memref<1x192x6272xf32, #tpu.memory_space<vmem>>, vector<1x192x3136xf32>
    %swap3A_86 = vector.shape_cast %swap3A_85 : vector<1x192x3136xf32> to vector<192x3136xf32>
    %swap3A_87 = vector.shape_cast %add3A_76 : vector<192x3136xf32> to vector<1x192x3136xf32>
    tpu.vector_store %arg13[%swap3A_82, %swap3A_83, %swap3A_84], %swap3A_87 {strides = array<i32>} : memref<1x192x6272xf32, #tpu.memory_space<vmem>>, vector<1x192x3136xf32>,
    return
  }
  func.func @transform_0(%arg0: i32) -> (i32, i32, i32) {
    %c0_i32 = arith.constant 0 : i32
    %c0_i32_0 = arith.constant 0 : i32
    %c0_i32_1 = arith.constant 0 : i32
    %c0_i32_2 = arith.constant 0 : i32
    return %c0_i32, %c0_i32_0, %c0_i32_1 : i32, i32, i32
  }
  func.func @transform_1(%arg0: i32) -> (i32, i32) {
    %c0_i32 = arith.constant 0 : i32
    %c0_i32_0 = arith.constant 0 : i32
    %c0_i32_1 = arith.constant 0 : i32
    return %c0_i32, %c0_i32_0 : i32, i32
  }
  func.func @transform_2(%arg0: i32) -> (i32, i32) {
    %c0_i32 = arith.constant 0 : i32
    %c0_i32_0 = arith.constant 0 : i32
    %c0_i32_1 = arith.constant 0 : i32
    return %c0_i32, %c0_i32_0 : i32, i32
  }
  func.func @transform_3(%arg0: i32) -> (i32, i32) {
    %c0_i32 = arith.constant 0 : i32
    %c0_i32_0 = arith.constant 0 : i32
    %c0_i32_1 = arith.constant 0 : i32
    return %c0_i32, %c0_i32_0 : i32, i32
  }
  func.func @transform_4(%arg0: i32) -> (i32, i32) {
    %c0_i32 = arith.constant 0 : i32
    %c0_i32_0 = arith.constant 0 : i32
    %c0_i32_1 = arith.constant 0 : i32
    return %c0_i32, %c0_i32_0 : i32, i32
  }
  func.func @transform_5(%arg0: i32) -> (i32, i32) {
    %c0_i32 = arith.constant 0 : i32
    %c0_i32_0 = arith.constant 0 : i32
    %c0_i32_1 = arith.constant 0 : i32
    return %c0_i32, %c0_i32_0 : i32, i32
  }
  func.func @transform_6(%arg0: i32) -> (i32, i32) {
    %c0_i32 = arith.constant 0 : i32
    %c0_i32_0 = arith.constant 0 : i32
    %c0_i32_1 = arith.constant 0 : i32
    return %c0_i32, %c0_i32_0 : i32, i32
  }
  func.func @transform_7(%arg0: i32) -> (i32, i32) {
    %c0_i32 = arith.constant 0 : i32
    %c0_i32_0 = arith.constant 0 : i32
    %c0_i32_1 = arith.constant 0 : i32
    return %c0_i32, %c0_i32_0 : i32, i32
  }
  func.func @transform_8(%arg0: i32) -> (i32, i32) {
    %c0_i32 = arith.constant 0 : i32
    %c0_i32_0 = arith.constant 0 : i32
    %c0_i32_1 = arith.constant 0 : i32
    return %c0_i32, %c0_i32_0 : i32, i32
  }
  func.func @transform_9(%arg0: i32) -> (i32, i32) {
    %c0_i32 = arith.constant 0 : i32
    %c0_i32_0 = arith.constant 0 : i32
    %c0_i32_1 = arith.constant 0 : i32
    return %c0_i32, %c0_i32_0 : i32, i32
  }
  func.func @transform_10(%arg0: i32) -> (i32, i32) {
    %c0_i32 = arith.constant 0 : i32
    %c0_i32_0 = arith.constant 0 : i32
    %c0_i32_1 = arith.constant 0 : i32
    return %c0_i32, %c0_i32_0 : i32, i32
  }
  func.func @transform_11(%arg0: i32) -> (i32, i32, i32) {
    %c0_i32 = arith.constant 0 : i32
    %c0_i32_0 = arith.constant 0 : i32
    %c0_i32_1 = arith.constant 0 : i32
    return %arg0, %c0_i32, %c0_i32_0 : i32, i32, i32
  }
  func.func @transform_12(%arg0: i32) -> (i32, i32, i32) {
    %c0_i32 = arith.constant 0 : i32
    %c0_i32_0 = arith.constant 0 : i32
    %c0_i32_1 = arith.constant 0 : i32
    return %arg0, %c0_i32, %c0_i32_0 : i32, i32, i32
  }
}

</mosaic_0001>

<sc_bundles>
// kernel: sparse-core-data-format-call.cloned.1.call-start
scs
called_computation_lowered:
.L_overlay_start_0:
0x0: {  	s2 =	sld [smem:$0x3FD9]  }
0x1: {  	s3 =	sld [smem:$0x3FFE];
	_ =	sdelay $0x1  }
0x2: {  	s1 =	srdreg.scid  }
0x3: {  	s0 =	sand.u32 $0x1, s1  }
0x4: {  	s18 =	sshll.u32 s0, $0xA;
	s2 =	sadd.s32 s3, s2  }
0x5: {  	s2 =	sadd.s32 s2, s18  }
0x6: {  	[smem:$0x3FC0] =	sst s2  }
0x7: {  	_ = 	snop  }
0x8: {  	s2 =	sld [smem:$0x3FD0];
	(tm) =	ssettm $0x1  }
0x9: {  	s19 =	sld [smem:$0x3FFB];
	_ =	sdelay $0x3  }
0xa: {  	_ =	strace s19  }
0xb: {  	s3 =	sld [smem:$0x3FFC];
	_ =	sdelay $0x3  }
0xc: {  	_ =	strace s3  }
0xd: {  	s3 =	sld [smem:$0x3FFD];
	_ =	sdelay $0x3  }
0xe: {  	_ =	strace s3  }
0xf: {  	_ =	strace $0x8FFFFFFF  }
0x10: {  	s20 =	sld [smem:$0x3FDB];
	_ =	sdelay $0x1  }
0x11: {  	s4 =	simm.s32 $_scs_section_size  }
0x12: {  	s5 =	simm.s32 $_size__tile_overlayer_lowered;
	s6 =	simm.s32 $_tile_overlayer_lowered  }
0x13: {  	s23 =	simm.s32 $0x1BFF;
	s22 =	sshll.u32 s6, $0x1;
	s3 =	sadd.s32 s4, s20  }
0x14: {  	s7 =	simm.s32 $0x0;
	s21 =	sshll.u32 s5, $0x1;
	s5 =	sadd.s32 s22, s3  }
0x15: {  	[timem:s7], [sflag:s23] =	dma.local [hbm:s5], s21  }
0x16: {  	_ =	swait.ge [sflag:s23], s21  }
0x17: {  	s4 =	ssub.s32 $0x0, s21;
	[sflag:s23] =	ssyncset.done $0x0  }
0x18: {  	[sflag:s23] =	ssyncadd.s32 s4;
	_ =	sdelay $0x1  }
0x19: {  	s24 =	simm.s32 $0x1B8B  }
0x1a: {  	_ =	swait.ge [sflag:s24], $0x1  }
0x1b: {  	[sflag:s24] =	ssyncset.done $0x0  }
0x1c: {  	s26 =	simm.s32 $0x1B8E;
	s25 =	sld [smem:$0x3FFE];
	[sflag:s24] =	ssyncadd.s32 $0xFFFFFFFF  }
0x1d: {  	s27 =	simm.s32 $execute0_lowered;
	[smem:$0x3FD2] =	sst s26  }
0x1e: {  	s5 =	sshll.u32 s27, $0x1;
	_ =	strace $0x80000046;
	[dreg:$0x1] =	wrdreg $0xFFFFFFFF  }
0x1f: {  	s28 =	simm.s32 $_size_execute0_lowered;
	s3 =	sadd.s32 s3, s5;
	[dreg:$0x0] =	wrdreg $0x0  }
0x20: {  	s5 =	sshll.u32 s28, $0x1;
	[dreg:$0x2] =	wrdreg s3  }
0x21: {  	[dreg:$0x3] =	wrdreg s5  }
0x22: {  	[dreg:$0x4] =	wrdreg $0xC0  }
0x23: {  	_ =	task [dreg:s7], $0x5FFFF  }
0x24: {  	[dreg:$0x1] =	wrdreg $0xFFFFFFFF  }
0x25: {  	[dreg:$0x0] =	wrdreg $0x60  }
0x26: {  	[dreg:$0x2] =	wrdreg s25  }
0x27: {  	[dreg:$0x3] =	wrdreg s2  }
0x28: {  	[dreg:$0x4] =	wrdreg $0x9  }
0x29: {  	_ =	task.clear_ibuf [dreg:s7], $0x5FFFF;
	_ =	strace $0x90000046  }
0x2a: {  	s29 =	simm.s32 $0x9;
	_ =	strace $0x80000048  }
0x2b: {  	_ =	swait.ge [sflag:s29], $0x1  }
0x2c: {  	[sflag:s29] =	ssyncadd.s32 $0xFFFFFFFF  }
0x2d: {  	_ =	strace $0x90000048  }
0x2e: {  	_ =	sfence  }
0x2f: {  	s30 =	sld [smem:$0x0];
	_ =	sdelay $0x2  }
0x30: {  	s31 =	sshll.u32 s1, $0xD;
	s1 =	sshrl.u32 s1, $0x2  }
0x31: {  	s3 =	sand.u32 $0x4000, s31;
	s1 =	sadd.s32 s1, s30  }
0x32: {  	s0 =	sor.u32 s3, s0;
	s1 =	sshll.u32 s1, $0x11  }
0x33: {  	s0 =	sor.u32 s1, s0  }
0x34: {  	s0 =	sadd.s32 $0x8F2B, s0  }
0x35: {  	[sflag:s0] =	ssyncadd.remote.s32 $0x1  }
0x36: {  	_ =	sfence.sel $0xFFFF  }
0x37: {  	[dreg:$0x0] =	wrdreg $0xFFFFFFFF;
	(pc) =	sbr.abs _section_cstart, $3  }
0x38: {  	[dreg:$0x1] =	wrdreg $0xFFFFFFFF  }
0x39: {  	_ =	task.clear_ibuf [dreg:s7], $0x2FFFF;
	_ =	strace $0x9FFFFFFF  }
0x3a: {  	(tm) =	ssettm $0x7FFFFFFF  }
0x3b: {  	_ =	shalt  }
tec
execute0_lowered:
.L_overlay_start_1:
0x0: {  	(tag) =	ssettag $0x1  }
0x1: {  	s3 =	rddreg [dreg:$0x0]  }
0x2: {  	s2 =	rddreg [dreg:$0x1]  }
0x3: {  	s1 =	srdreg.scid;
	s0 =	rddreg [dreg:$0x2];
	_ =	strace $0x80000047  }
0x4: {  	s7 =	simm.s32 $0x2;
	s15 =	simm.s32 $0x0;
	p0 =	por $0x0, $0x0  }
0x5: {  	s16 =	simm.s32 $0x0;
	s17 =	simm.s32 $0x0;
	s8 =	simm.s32 $0x0  }
0x6: {  	s10 =	simm.s32 $0x0;
	s11 =	simm.s32 $0x0;
	s13 =	simm.s32 $0x0  }
.Ltmp0:
0x7: {  	s9 =	simm.s32 $0x0;
	s4 =	sshll.u32 s1, $0x4;
	(pc) =	sbr.rel .LBB1_1-.Ltmp0, $4  }
0x8: {  	s1 =	stileid.u32;
	s3 =	sadd.s32 $0x800, s3;
	s4 =	sand.u32 $0x10, s4  }
0x9: {  	s5 =	sand.u32 $0x7, s1;
	s6 =	sor.u32 s1, s4;
	s4 =	simm.s32 $0x1  }
0xa: {  	s14 =	smov.u32 s5;
	[sflag:s4] =	ssyncpa.u1 $0x0;
	s6 =	sshrl.u32 s6, $0x3  }
0xb: {  	[sflag:s7] =	ssyncpa.u1 $0x0;
	s7 =	simm.s32 $0xC00;
	s12 =	smov.u32 s6  }
.LBB1_5:
0xc: {  	p1 =	slt.u32 s9, $0x2  }
0xd: {  	p2 =	sgt.s32 @!p1 s17, $0x7  }
0xe: {  	s18 =	smov.u32 s17;
	s19 =	sshra.s32 @!p1 s17, $0x1F;
	p2 =	por !p2, p1  }
0xf: {  	p3 =	sgt.s32 @!p1 s16, $0x100;
	s17 =	sand.u32 @!p1 s19, s17;
	s18 =	simm.s32 @p2 $0x7  }
0x10: {  	s20 =	smov.u32 s15;
	p3 =	por !p3, p1;
	s17 =	ssub.s32 @!p1 s18, s17  }
0x11: {  	s19 =	sshra.s32 @!p1 s16, $0x1F;
	s18 =	sadd.s32 @!p1 $0xFFFFFFF9, s17;
	s17 =	ssub.s32 @!p1 $0x8, s17  }
0x12: {  	p2 =	sgt.s32 @!p1 s18, $0x0;
	s18 =	smov.u32 s16;
	s16 =	sand.u32 @!p1 s19, s16  }
0x13: {  	s19 =	sshra.s32 @!p1 s15, $0x1F;
	s18 =	simm.s32 @p3 $0x100;
	p3 =	sgt.s32 @!p1 s15, $0x37  }
0x14: {  	s17 =	smul.u32 @!p1 $0x38, s17;
	p3 =	por !p3, p1;
	s16 =	ssub.s32 @!p1 s18, s16  }
0x15: {  	s15 =	sand.u32 @!p1 s19, s15;
	s20 =	simm.s32 @p3 $0x37;
	s18 =	sadd.s32 @!p1 $0xFFFFFF00, s16  }
0x16: {  	p2 =	por !p2, p1;
	s15 =	ssub.s32 @!p1 s20, s15;
	p3 =	sgt.s32 @!p1 s18, $0x7F  }
0x17: {  	s16 =	ssub.s32 @!p1 $0x180, s16;
	s19 =	sadd.s32 @!p1 $0xFFFFFFC9, s15;
	p3 =	por !p3, p1  }
0x18: {  	s17 =	simm.s32 @!p2 $0x0;
	s16 =	simm.s32 @!p3 $0x0;
	p3 =	sgt.s32 @!p1 s19, $0x0  }
0x19: {  	s15 =	ssub.s32 @!p1 $0x38, s15;
	p2 =	por !p3, p1;
	s16 =	smul.u32 @!p1 s16, s17  }
0x1a: {  	s18 =	sadd.s32 $0x4, s12;
	s19 =	smov.u32 s13;
	s15 =	simm.s32 @!p2 $0x0  }
0x1b: {  	p2 =	sgt.s32 s18, $0x37;
	s15 =	smul.u32 @!p1 s15, s16;
	s16 =	sadd.s32 $0x80, s13  }
0x1c: {  	s19 =	smov.u32 @p2 s16  }
0x1d: {  	s21 =	smov.u32 s14;
	s16 =	sadd.s32 $0x8, s14;
	p3 =	sgt.s32 s19, $0x17F  }
0x1e: {  	s9 =	sadd.s32 $0x1, s9;
	p0 =	por !p0, !p0;
	s21 =	smov.u32 @p3 s16  }
0x1f: {  	s20 =	simm.s32 @!p1 $0x2;
	s18 =	smov.u32 @p2 s6;
	p2 =	sgt.s32 s21, $0x7  }
0x20: {  	s17 =	smov.u32 s11;
	s21 =	smov.u32 @p2 s5;
	p2 =	sne.s32 s9, $0x2C  }
.Ltmp1:
0x21: {  	s11 =	smov.u32 s14;
	s15 =	sand.u32 @!p1 $0x3FFFFFF8, s15;
	(pc) =	sbr.rel @!p2 .LBB1_6-.Ltmp1, $4  }
0x22: {  	_ =	swait.ge @!p1 [sflag:s20], s15;
	s22 =	ssub.s32 @!p1 $0x0, s15;
	s15 =	smov.u32 s8  }
0x23: {  	s16 =	smov.u32 s10;
	s19 =	simm.s32 @p3 $0x0;
	s8 =	smov.u32 s12  }
0x24: {  	s10 =	smov.u32 s13;
	s12 =	smov.u32 s18;
	[sflag:s20] =	ssyncset.done @!p1 $0x0  }
0x25: {  	s13 =	smov.u32 s19;
	[sflag:s20] =	ssyncadd.s32 @!p1 s22;
	s14 =	smov.u32 s21  }
.LBB1_1:
0x26: {  	p1 =	sgt.u32 s9, $0x29  }
0x27: {  	s18 =	sand.u32 @!p1 $0x1FFFFFF, s12;
	s20 =	smul.u32 @!p1 $0x54000, s14  }
0x28: {  	s19 =	smulhi.u32 @!p1 $0x4924925, s18  }
0x29: {  	s22 =	smul.u32 @!p1 $0x380, s13  }
0x2a: {  	s19 =	smul.u32 @!p1 $0x38, s19  }
0x2b: {  	s20 =	sadd.s32 @!p1 s3, s20  }
0x2c: {  	s21 =	sxor.u32 @!p1 $0xFFFFFFFF, s9;
	s20 =	sadd.s32 @!p1 s22, s20;
	s18 =	ssub.s32 @!p1 s18, s19  }
0x2d: {  	s19 =	sshll.u32 @!p1 s21, $0xD;
	s21 =	simm.s32 @!p1 $0x1C00;
	s18 =	sshll.u32 @!p1 s18, $0x4  }
0x2e: {  	s19 =	sand.u32 @!p1 $0x2000, s19;
	s18 =	sadd.s32 @!p1 s18, s20;
	s20 =	simm.s32 @!p1 $0x40  }
0x2f: {  	[tilespmem:s19], [sflag:$0x1] =	stream.strided.gather @!p1 [hbm4b:s18+s20], $0x2000, s21, s20, $0x38;
	[tilespmem:$0x8080] =	vst v63  }
0x30: {  	p1 =	seq.s32 s9, $0x0  }
0x31: {  	p2 =	seq.s32 @!p1 s9, $0x2B  }
0x32: {  	p1 =	por p1, p2  }
.Ltmp2:
0x33: {  	_ = 	snop;
	(pc) =	sbr.rel @p1 .LBB1_5-.Ltmp2, $1  }
0x34: {  	_ =	sdelay $0x3  }
0x35: {  	s18 =	simm.s32 $0x1  }
0x36: {  	_ =	swait.ge [sflag:s4], $0x2000;
	s18 =	simm.s32 @!p0 $0x0  }
0x37: {  	[sflag:s4] =	ssyncset.done $0x0;
	s19 =	sshll.u32 s18, $0xD  }
0x38: {  	[sflag:s4] =	ssyncadd.s32 $0xFFFFE000;
	s22 =	sor.u32 $0x20, s19  }
0x39: {  	s18 =	smul.u32 $0x8100, s18;
	v3 =	vld [tilespmem:s22+$0x10]  }
0x3a: {  	s30 =	sand.u32 $0x1, s9;
	v2 =	vld [tilespmem:s22+$0xFFFFFFF0]  }
0x3b: {  	s19 =	smul.u32 $0x8100, s30;
	s18 =	sshrl.u32 s18, $0x2;
	v0 =	vld [tilespmem:s22+$0x0]  }
0x3c: {  	v1 =	vld [tilespmem:s22+$0xFFFFFFE0];
	s20 =	sor.u32 $0x4000, s18  }
0x3d: {  	s31 =	sshrl.u32 s19, $0x2;
	s19 =	sadd.s32 $0x0, s20  }
0x3e: {  	s21 =	simm.s32 $0x4;
	s22 =	sadd.s32 $0x40, s22;
	s18 =	sor.u32 $0x4000, s31;
	[tilespmem:s19+$0x1830 ss:$0x81] =	vst.msk $0xffff, v3  }
.LBB1_3:
0x3f: {  	v3 =	vld [tilespmem:s22+$0x10];
	p1 =	sne.s32 s21, $0x1FC;
	[tilespmem:s19+$0x810 ss:$0x81] =	vst.msk $0xffff, v2;
	s23 =	smov.u32 s21;
	s21 =	sadd.s32 $0x4, s21  }
.Ltmp3:
0x40: {  	v2 =	vld [tilespmem:s22+$0xFFFFFFF0];
	[tilespmem:s19+$0x1020 ss:$0x81] =	vst.msk $0xffff, v0;
	(pc) =	sbr.rel @p1 .LBB1_3-.Ltmp3, $4  }
0x41: {  	v0 =	vld [tilespmem:s22+$0x0];
	[tilespmem:s19+$0x0 ss:$0x81] =	vst.msk $0xffff, v1  }
0x42: {  	s19 =	sshra.s32 s23, $0x2;
	v1 =	vld [tilespmem:s22+$0xFFFFFFE0]  }
0x43: {  	s19 =	sadd.s32 s19, s20  }
0x44: {  	s22 =	sadd.s32 $0x40, s22;
	[tilespmem:s19+$0x1830 ss:$0x81] =	vst.msk $0xffff, v3  }
0x45: {  	s20 =	sshll.u32 s10, $0x3;
	s21 =	sand.u32 $0x7F, s10  }
0x46: {  	p1 =	sgt.s32 s11, $0x7;
	s24 =	smov.u32 s11;
	s25 =	sshra.s32 s11, $0x1F  }
0x47: {  	p2 =	sgt.s32 s10, $0x100;
	s26 =	smov.u32 s10;
	s27 =	sshra.s32 s10, $0x1F  }
0x48: {  	s30 =	sshra.s32 s8, $0x1F;
	s20 =	sand.u32 $0xFFFFFC00, s20;
	s24 =	simm.s32 @!p1 $0x7  }
0x49: {  	s25 =	sand.u32 s25, s11;
	s26 =	simm.s32 @!p2 $0x100;
	s29 =	sand.u32 s27, s10  }
0x4a: {  	p2 =	sgt.s32 s8, $0x37;
	s27 =	smov.u32 s8;
	s21 =	sor.u32 s21, s20  }
0x4b: {  	s20 =	smulhi.u32 $0xAAAAAAAB, s20;
	s24 =	ssub.s32 s24, s25;
	s27 =	simm.s32 @!p2 $0x37  }
0x4c: {  	s22 =	smulhi.u32 $0xAAAAAAAB, s21;
	s25 =	sadd.s32 $0xFFFFFFF9, s24;
	s24 =	ssub.s32 $0x8, s24  }
0x4d: {  	s20 =	sshrl.u32 s20, $0x8;
	p1 =	sgt.s32 s25, $0x0;
	s24 =	smul.u32 $0x38, s24  }
0x4e: {  	s25 =	ssub.s32 s26, s29;
	s22 =	sshrl.u32 s22, $0x8;
	s23 =	smulhi.u32 $0x4924925, s20  }
0x4f: {  	s26 =	sadd.s32 $0xFFFFFF00, s25;
	s25 =	ssub.s32 $0x180, s25;
	s22 =	smul.u32 $0x180, s22  }
0x50: {  	p2 =	sgt.s32 s26, $0x7F;
	s26 =	sand.u32 s30, s8;
	s23 =	smul.u32 $0x38, s23  }
0x51: {  	s24 =	simm.s32 @p1 $0x0;
	s31 =	ssub.s32 s27, s26;
	s26 =	smul.u32 $0x24C00, s11  }
0x52: {  	s25 =	simm.s32 @p2 $0x0;
	s27 =	smul.u32 $0xA80, s8;
	s21 =	ssub.s32 s21, s22  }
0x53: {  	s24 =	smul.u32 s25, s24;
	s25 =	sadd.s32 $0xFFFFFFC9, s31;
	s20 =	ssub.s32 s20, s23  }
0x54: {  	s22 =	ssub.s32 $0x38, s31;
	p1 =	sgt.s32 s25, $0x0;
	s20 =	smul.u32 $0x30, s20  }
.Ltmp4:
0x55: {  	s25 =	sadd.s32 s2, s26;
	s22 =	simm.s32 @p1 $0x0;
	(pc) =	sbr.rel .LBB1_5-.Ltmp4, $4  }
0x56: {  	[tilespmem:s19+$0x810 ss:$0x81] =	vst.msk $0xffff, v2;
	s28 =	sand.u32 $0x7, s21;
	s23 =	sadd.s32 s27, s25;
	s22 =	smul.u32 s22, s24  }
0x57: {  	[tilespmem:s19+$0x1020 ss:$0x81] =	vst.msk $0xffff, v0;
	s21 =	sshrl.u32 s21, $0x3;
	s29 =	sshll.u32 s28, $0x12;
	s20 =	sadd.s32 s20, s23  }
0x58: {  	[tilespmem:s19+$0x0 ss:$0x81] =	vst.msk $0xffff, v1;
	s31 =	sor.u32 $0x400, s29;
	s30 =	sand.u32 $0x3FFFFFF8, s22;
	s20 =	sadd.s32 s21, s20  }
0x59: {  	[hbm4b:s20+s31] =	stream.strided.scatter [tilespmem:s18], [sflag:$0x2], s30, s7, s31, $0x20;
	[tilespmem:$0x8080] =	vst v63  }
.LBB1_6:
0x5a: {  	_ =	sfence.sel $0x180000  }
0x5b: {  	s2 =	simm.s32 $0x1;
	[bflag:$0x0] =	sbarrier.arrive $0xFFFF  }
0x5c: {  	s31 =	simm.s32 $0x2;
	[sflag:s2] =	ssyncpa.u1 $0x1  }
0x5d: {  	[sflag:s31] =	ssyncpa.u1 $0x1  }
0x5e: {  	p0 =	sne.s32 s1, $0x0;
	_ =	strace $0x90000047  }
0x5f: {  	s0 =	sadd.s32 @!p0 $0x100000, s0;
	[bflag:$0x2] =	sbarrier.arrive $0xFFFF  }
0x60: {  	[sflag:s0] =	ssyncadd.tile.s32 @!p0 $0x1;
	_ =	shalt  }
.Lfunc_end1:
_tile_overlayer_lowered:
.L_overlay_start_2:
0x61: {  	(tag) =	ssettag $0x2  }
0x62: {  	s0 =	rddreg [dreg:$0x0];
	s2 =	stileid.u32  }
0x63: {  	s1 =	rddreg [dreg:$0x1];
	p0 =	sne.s32 s2, $0x0  }
0x64: {  	s3 =	rddreg [dreg:$0x2];
	[bflag:$0x3] =	sbarrier.arrive $0xFFFF;
	s2 =	simm.s32 @!p0 $0x1C01  }
0x65: {  	[timem:s3], [sflag:s2] =	dma.local @!p0 [hbm:s0], s1  }
0x66: {  	s0 =	simm.s32 @!p0 $0x1  }
0x67: {  	_ =	swait.ge @!p0 [sflag:s0], s1  }
0x68: {  	s1 =	ssub.s32 @!p0 $0x0, s1;
	[sflag:s0] =	ssyncset.done @!p0 $0x0  }
0x69: {  	[sflag:s0] =	ssyncadd.s32 @!p0 s1  }
0x6a: {  	[bflag:$0x3] =	sbarrier.arrive $0xFFFF  }
0x6b: {  	_ =	shalt  }

</sc_bundles>
